<compile_context>
chip_gen: v7x
topology: tpu7x:2x2x1
jax: 0.10.2.dev20260603
libtpu: 0.0.44.dev20260713+nightly
codegen_flags: <defaults>
</compile_context>

<pallas_src>
import functools

import jax
import jax.numpy as jnp
from jax import lax
from jax.experimental import pallas as pl
from jax.experimental.pallas import tpu as pltpu

_B = 16384
_D = 64
_V = 1000000
_W = 2048
_NWIN = -(-_V // _W)
_K = 8
_SCALE = 0.5 * 0.5 / _B


def _win_body(starts_ref, xl_hbm, c_ref, out_ref, xl_ref, sem):
    t = pl.program_id(0)

    @pl.when(t == 0)
    def _():
        cp = pltpu.make_async_copy(xl_hbm, xl_ref, sem)
        cp.start()
        cp.wait()

    c = c_ref[...]
    nwin = jnp.sum(c * c, axis=0, keepdims=True)
    lanef = (t * _W
             + lax.broadcasted_iota(jnp.int32, (1, _W), 1)).astype(jnp.float32)

    gs = starts_ref[t]
    ge = starts_ref[t + 1]
    nch = (ge - gs + _K - 1) // _K

    def chunk(i, acc):
        rs = gs + i * _K
        rs_c = jnp.minimum(rs, _B - _K)
        xs = xl_ref[pl.ds(rs_c, _K), 0:_D]
        labf = xl_ref[pl.ds(rs_c, _K), _D:_D + 1]
        pos = rs_c + lax.broadcasted_iota(jnp.int32, (_K, 1), 0)
        valid = (pos >= rs) & (pos < ge)
        oh = (labf == lanef) & valid
        g = jnp.dot(xs, c, preferred_element_type=jnp.float32)
        return acc + jnp.sum(jnp.where(oh, nwin - 2.0 * g, 0.0))

    acc = lax.fori_loop(0, nch, chunk, jnp.float32(0.0))

    @pl.when(t == 0)
    def _():
        xall = xl_ref[:, 0:_D]
        out_ref[...] = jnp.full((1, 8, 128), acc + jnp.sum(xall * xall),
                                jnp.float32)

    @pl.when(t != 0)
    def _():
        out_ref[...] = jnp.full((1, 8, 128), acc, jnp.float32)


@jax.jit
def _center_loss(x, labels_i32, centers):
    order = jnp.argsort(labels_i32)
    labs = labels_i32[order]
    xs = x[order]
    xl = jnp.concatenate(
        [xs, labs.astype(jnp.float32)[:, None],
         jnp.zeros((_B, 128 - _D - 1), jnp.float32)], axis=1)
    bounds = jnp.arange(_NWIN + 1, dtype=jnp.int32) * _W
    starts = jnp.searchsorted(labs, bounds).astype(jnp.int32)

    partials = pl.pallas_call(
        _win_body,
        grid_spec=pltpu.PrefetchScalarGridSpec(
            num_scalar_prefetch=1,
            grid=(_NWIN,),
            in_specs=[
                pl.BlockSpec(memory_space=pltpu.MemorySpace.HBM),
                pl.BlockSpec((_D, _W), lambda t, s: (0, t)),
            ],
            out_specs=pl.BlockSpec((1, 8, 128), lambda t, s: (t, 0, 0)),
            scratch_shapes=[
                pltpu.VMEM((_B, 128), jnp.float32),
                pltpu.SemaphoreType.DMA,
            ],
        ),
        out_shape=jax.ShapeDtypeStruct((_NWIN, 8, 128), jnp.float32),
    )(starts, xl, centers.T)
    return _SCALE * jnp.sum(partials[:, 0, 0])


def kernel(x, labels, centers):
    return _center_loss(x, labels.astype(jnp.int32), centers)

# --- scband reference (transcript-rebuilt; emitter-appended) ---
"""Pipeline reference for scband-center-loss-30073361007183 (READ-ONLY COPY).

The authoritative reference and input builder live on the scoring server;
editing this copy changes nothing except your own understanding.
"""

import jax, jax.numpy as jnp
import numpy as np

NUM_CLASSES = 1000000
FEAT_DIM = 64
BATCH = 16384
LAMBDA_C = 0.5


def _xavier_uniform(key, shape):
    fan_in, fan_out = shape[1], shape[0]
    limit = float(np.sqrt(6.0 / (fan_in + fan_out)))
    return jax.random.uniform(key, shape, dtype=jnp.float32, minval=-limit, maxval=limit)


def setup_inputs(seed: int = 0) -> dict:
    key = jax.random.key(seed)
    k_x, k_lab, k_c = jax.random.split(key, 3)
    x = jax.random.normal(k_x, (BATCH, FEAT_DIM), dtype=jnp.float32)
    labels = jax.random.randint(k_lab, (BATCH,), 0, NUM_CLASSES, dtype=jnp.int64)
    centers = _xavier_uniform(k_c, (NUM_CLASSES, FEAT_DIM))
    return {"x": x, "labels": labels, "centers": centers}


def reference(x, labels, centers):
    batch_size = x.shape[0]
    centers_batch = jnp.take(centers, labels, axis=0)
    center_loss = LAMBDA_C * 0.5 * jnp.sum((x - centers_batch) ** 2) / batch_size
    return center_loss

if __name__ == "__main__":
    import jax
    _d = setup_inputs()
    print(jax.jit(kernel)(*tuple(_d.values())))

</pallas_src>

<mosaic_0001>
module attributes {stable_mosaic.version = 14 : i64} {
  func.func @_win_body(%arg0: i32, %arg1: memref<490xi32, #tpu.memory_space<smem>>, %arg2: memref<16384x128xf32, #tpu.memory_space<hbm>>, %arg3: memref<64x2048xf32, #tpu.memory_space<vmem>>, %arg4: memref<1x8x128xf32, #tpu.memory_space<vmem>>, %arg5: memref<16384x128xf32, #tpu.memory_space<vmem>>, %arg6: memref<!tpu.dma_semaphore, #tpu.memory_space<semaphore_mem>>) attributes {dimension_semantics = [#tpu.dimension_semantics<arbitrary>], iteration_bounds = array<i64: 489>, scalar_prefetch = 1 : i64, scratch_operands = 2 : i64, tpu.core_type = #tpu.core_type<tc>, window_params = [{}, {transform_indices = @transform_1, window_bounds = array<i64: 64, 2048>}, {transform_indices = @transform_2, window_bounds = array<i64: 1, 8, 128>}]} {
    %eq3A = arith.constant 0 : i32
    %eq3A_0 = arith.cmpi eq, %arg0, %eq3A : i32
    %convert_element_type3A = arith.extui %eq3A_0 : i1 to i32
    %cond3A = arith.constant 0 : i32
    %cond3A_1 = arith.cmpi ne, %convert_element_type3A, %cond3A : i32
    scf.if %cond3A_1 {
      tpu.enqueue_dma source(%arg2 : memref<16384x128xf32, #tpu.memory_space<hbm>>) target(%arg5 : memref<16384x128xf32, #tpu.memory_space<vmem>>) target_semaphore(%arg6 : memref<!tpu.dma_semaphore, #tpu.memory_space<semaphore_mem>>)
      tpu.wait_dma2 semaphore(%arg6 : memref<!tpu.dma_semaphore, #tpu.memory_space<semaphore_mem>>) src(%arg2 : memref<16384x128xf32, #tpu.memory_space<hbm>>) dst(%arg5 : memref<16384x128xf32, #tpu.memory_space<vmem>>)
    } else {
    }
    %get3A = arith.constant 0 : index
    %get3A_2 = arith.constant 0 : index
    %get3A_3 = vector.load %arg3[%get3A, %get3A_2] : memref<64x2048xf32, #tpu.memory_space<vmem>>, vector<64x2048xf32>
    %mul3A = arith.mulf %get3A_3, %get3A_3 : vector<64x2048xf32>
    %reduce_sum3A = arith.constant dense<0.000000e+00> : vector<2048xf32>
    %reduce_sum3A_4 = vector.multi_reduction <add>, %mul3A, %reduce_sum3A [0] : vector<64x2048xf32> to vector<2048xf32>
    %broadcast_in_dim3A = vector.shape_cast %reduce_sum3A_4 : vector<2048xf32> to vector<1x2048xf32>
    %mul3A_5 = arith.constant 2048 : i32
    %mul3A_6 = arith.muli %arg0, %mul3A_5 : i32
    %iota3A = tpu.iota {dimensions = array<i32: 1>} : vector<1x2048xi32>
    %add3A = vector.broadcast %mul3A_6 : i32 to vector<1x2048xi32>
    %add3A_7 = arith.addi %add3A, %iota3A : vector<1x2048xi32>
    %convert_element_type3A_8 = arith.sitofp %add3A_7 : vector<1x2048xi32> to vector<1x2048xf32>
    %get3A_9 = arith.index_cast %arg0 : i32 to index
    %get3A_10 = memref.load %arg1[%get3A_9] : memref<490xi32, #tpu.memory_space<smem>>
    %add3A_11 = arith.constant 1 : i32
    %add3A_12 = arith.addi %arg0, %add3A_11 : i32
    %get3A_13 = arith.index_cast %add3A_12 : i32 to index
    %get3A_14 = memref.load %arg1[%get3A_13] : memref<490xi32, #tpu.memory_space<smem>>
    %sub3A = arith.subi %get3A_14, %get3A_10 : i32
    %add3A_15 = arith.constant 8 : i32
    %add3A_16 = arith.addi %sub3A, %add3A_15 : i32
    %sub3A_17 = arith.constant 1 : i32
    %sub3A_18 = arith.subi %add3A_16, %sub3A_17 : i32
    %jit3A = arith.constant 8 : i32
    %div3A = arith.divsi %sub3A_18, %jit3A : i32
    %sign3A = arith.constant 0 : i32
    %sign3A_19 = arith.cmpi sgt, %sub3A_18, %sign3A : i32
    %sign3A_20 = arith.extui %sign3A_19 : i1 to i32
    %sign3A_21 = arith.constant 0 : i32
    %sign3A_22 = arith.cmpi slt, %sub3A_18, %sign3A_21 : i32
    %sign3A_23 = arith.extui %sign3A_22 : i1 to i32
    %sign3A_24 = arith.subi %sign3A_20, %sign3A_23 : i32
    %sign3A_25 = arith.constant 0 : i32
    %sign3A_26 = arith.cmpi sgt, %jit3A, %sign3A_25 : i32
    %sign3A_27 = arith.extui %sign3A_26 : i1 to i32
    %sign3A_28 = arith.constant 0 : i32
    %sign3A_29 = arith.cmpi slt, %jit3A, %sign3A_28 : i32
    %sign3A_30 = arith.extui %sign3A_29 : i1 to i32
    %sign3A_31 = arith.subi %sign3A_27, %sign3A_30 : i32
    %ne3A = arith.cmpi ne, %sign3A_24, %sign3A_31 : i32
    %rem3A = arith.remsi %sub3A_18, %jit3A : i32
    %ne3A_32 = arith.constant 0 : i32
    %ne3A_33 = arith.cmpi ne, %rem3A, %ne3A_32 : i32
    %and3A = arith.andi %ne3A, %ne3A_33 : i1
    %sub3A_34 = arith.constant 1 : i32
    %sub3A_35 = arith.subi %div3A, %sub3A_34 : i32
    %select_n3A = arith.select %and3A, %sub3A_35, %div3A : i32
    %while3A = arith.constant 0 : i32
    %while3A_36 = arith.constant 0.000000e+00 : f32
    %while3A_37 = arith.subi %select_n3A, %while3A : i32
    %while3A_38 = arith.addi %while3A, %while3A_37 : i32
    %while3A_39 = arith.constant 1 : i32
    %while3A_40 = arith.divsi %while3A_37, %while3A_39 : i32
    %while3A_41 = arith.muli %while3A_40, %while3A_39 : i32
    %while3A_42 = arith.addi %while3A, %while3A_41 : i32
    %while3A_43 = arith.constant 1 : i32
    %while3A_44 = scf.for %while3A_57 = %while3A to %while3A_42 step %while3A_43 iter_args(%while3A_58 = %while3A_36) -> (f32)  : i32 {
      %mul3A_59 = arith.constant 8 : i32
      %mul3A_60 = arith.muli %while3A_57, %mul3A_59 : i32
      %add3A_61 = arith.addi %get3A_10, %mul3A_60 : i32
      %min3A = arith.constant 16376 : i32
      %min3A_62 = arith.minsi %add3A_61, %min3A : i32
      %get3A_63 = arith.index_cast %min3A_62 : i32 to index
      %get3A_64 = arith.constant 0 : index
      %get3A_65 = vector.load %arg5[%get3A_63, %get3A_64] : memref<16384x128xf32, #tpu.memory_space<vmem>>, vector<8x64xf32>
      %get3A_66 = arith.index_cast %min3A_62 : i32 to index
      %get3A_67 = arith.constant 64 : index
      %get3A_68 = vector.load %arg5[%get3A_66, %get3A_67] : memref<16384x128xf32, #tpu.memory_space<vmem>>, vector<8x1xf32>
      %iota3A_69 = tpu.iota {dimensions = array<i32: 0>} : vector<8x1xi32>
      %add3A_70 = vector.broadcast %min3A_62 : i32 to vector<8x1xi32>
      %add3A_71 = arith.addi %add3A_70, %iota3A_69 : vector<8x1xi32>
      %ge3A = vector.broadcast %add3A_61 : i32 to vector<8x1xi32>
      %ge3A_72 = arith.cmpi sge, %add3A_71, %ge3A : vector<8x1xi32>
      %lt3A = vector.broadcast %get3A_14 : i32 to vector<8x1xi32>
      %lt3A_73 = arith.cmpi slt, %add3A_71, %lt3A : vector<8x1xi32>
      %and3A_74 = arith.andi %ge3A_72, %lt3A_73 : vector<8x1xi1>
      %eq3A_75 = vector.broadcast %get3A_68 : vector<8x1xf32> to vector<8x2048xf32>
      %eq3A_76 = vector.broadcast %convert_element_type3A_8 : vector<1x2048xf32> to vector<8x2048xf32>
      %eq3A_77 = arith.cmpf oeq, %eq3A_75, %eq3A_76 : vector<8x2048xf32>
      %and3A_78 = vector.broadcast %and3A_74 : vector<8x1xi1> to vector<8x2048xi1>
      %and3A_79 = arith.andi %eq3A_77, %and3A_78 : vector<8x2048xi1>
      %dot_general3A = arith.constant dense<0.000000e+00> : vector<8x2048xf32>
      %dot_general3A_80 = tpu.matmul %get3A_65, %get3A_3, %dot_general3A {dimension_numbers = #tpu.dot_dimension_numbers<[1], [0], [0], [1], [0, 0, 1, 1], [], []>, transpose_lhs_hint = false} : vector<8x64xf32>, vector<64x2048xf32>, vector<8x2048xf32> -> vector<8x2048xf32>
      %mul3A_81 = arith.constant 2.000000e+00 : f32
      %mul3A_82 = vector.broadcast %mul3A_81 : f32 to vector<8x2048xf32>
      %mul3A_83 = arith.mulf %mul3A_82, %dot_general3A_80 : vector<8x2048xf32>
      %sub3A_84 = vector.broadcast %broadcast_in_dim3A : vector<1x2048xf32> to vector<8x2048xf32>
      %sub3A_85 = arith.subf %sub3A_84, %mul3A_83 : vector<8x2048xf32>
      %jit3A_86 = arith.constant 0.000000e+00 : f32
      %broadcast_in_dim3A_87 = vector.broadcast %jit3A_86 : f32 to vector<8x2048xf32>
      %select_n3A_88 = arith.select %and3A_79, %sub3A_85, %broadcast_in_dim3A_87 : vector<8x2048xi1>, vector<8x2048xf32>
      %reduce_sum3A_89 = vector.shape_cast %select_n3A_88 : vector<8x2048xf32> to vector<1x8x2048xf32>
      %reduce_sum3A_90 = arith.constant dense<0.000000e+00> : vector<1xf32>
      %reduce_sum3A_91 = vector.multi_reduction <add>, %reduce_sum3A_89, %reduce_sum3A_90 [1, 2] : vector<1x8x2048xf32> to vector<1xf32>
      %reduce_sum3A_92 = vector.shape_cast %reduce_sum3A_91 : vector<1xf32> to vector<1x1x1xf32>
      %reduce_sum3A_93 = vector.extract %reduce_sum3A_92[0, 0, 0] : f32 from vector<1x1x1xf32>
      %add3A_94 = arith.addf %while3A_58, %reduce_sum3A_93 : f32
      scf.yield %add3A_94 : f32
    }
    %while3A_45 = arith.constant 1 : i32
    %while3A_46 = scf.for %while3A_57 = %while3A_42 to %while3A_38 step %while3A_45 iter_args(%while3A_58 = %while3A_44) -> (f32)  : i32 {
      %mul3A_59 = arith.constant 8 : i32
      %mul3A_60 = arith.muli %while3A_57, %mul3A_59 : i32
      %add3A_61 = arith.addi %get3A_10, %mul3A_60 : i32
      %min3A = arith.constant 16376 : i32
      %min3A_62 = arith.minsi %add3A_61, %min3A : i32
      %get3A_63 = arith.index_cast %min3A_62 : i32 to index
      %get3A_64 = arith.constant 0 : index
      %get3A_65 = vector.load %arg5[%get3A_63, %get3A_64] : memref<16384x128xf32, #tpu.memory_space<vmem>>, vector<8x64xf32>
      %get3A_66 = arith.index_cast %min3A_62 : i32 to index
      %get3A_67 = arith.constant 64 : index
      %get3A_68 = vector.load %arg5[%get3A_66, %get3A_67] : memref<16384x128xf32, #tpu.memory_space<vmem>>, vector<8x1xf32>
      %iota3A_69 = tpu.iota {dimensions = array<i32: 0>} : vector<8x1xi32>
      %add3A_70 = vector.broadcast %min3A_62 : i32 to vector<8x1xi32>
      %add3A_71 = arith.addi %add3A_70, %iota3A_69 : vector<8x1xi32>
      %ge3A = vector.broadcast %add3A_61 : i32 to vector<8x1xi32>
      %ge3A_72 = arith.cmpi sge, %add3A_71, %ge3A : vector<8x1xi32>
      %lt3A = vector.broadcast %get3A_14 : i32 to vector<8x1xi32>
      %lt3A_73 = arith.cmpi slt, %add3A_71, %lt3A : vector<8x1xi32>
      %and3A_74 = arith.andi %ge3A_72, %lt3A_73 : vector<8x1xi1>
      %eq3A_75 = vector.broadcast %get3A_68 : vector<8x1xf32> to vector<8x2048xf32>
      %eq3A_76 = vector.broadcast %convert_element_type3A_8 : vector<1x2048xf32> to vector<8x2048xf32>
      %eq3A_77 = arith.cmpf oeq, %eq3A_75, %eq3A_76 : vector<8x2048xf32>
      %and3A_78 = vector.broadcast %and3A_74 : vector<8x1xi1> to vector<8x2048xi1>
      %and3A_79 = arith.andi %eq3A_77, %and3A_78 : vector<8x2048xi1>
      %dot_general3A = arith.constant dense<0.000000e+00> : vector<8x2048xf32>
      %dot_general3A_80 = tpu.matmul %get3A_65, %get3A_3, %dot_general3A {dimension_numbers = #tpu.dot_dimension_numbers<[1], [0], [0], [1], [0, 0, 1, 1], [], []>, transpose_lhs_hint = false} : vector<8x64xf32>, vector<64x2048xf32>, vector<8x2048xf32> -> vector<8x2048xf32>
      %mul3A_81 = arith.constant 2.000000e+00 : f32
      %mul3A_82 = vector.broadcast %mul3A_81 : f32 to vector<8x2048xf32>
      %mul3A_83 = arith.mulf %mul3A_82, %dot_general3A_80 : vector<8x2048xf32>
      %sub3A_84 = vector.broadcast %broadcast_in_dim3A : vector<1x2048xf32> to vector<8x2048xf32>
      %sub3A_85 = arith.subf %sub3A_84, %mul3A_83 : vector<8x2048xf32>
      %jit3A_86 = arith.constant 0.000000e+00 : f32
      %broadcast_in_dim3A_87 = vector.broadcast %jit3A_86 : f32 to vector<8x2048xf32>
      %select_n3A_88 = arith.select %and3A_79, %sub3A_85, %broadcast_in_dim3A_87 : vector<8x2048xi1>, vector<8x2048xf32>
      %reduce_sum3A_89 = vector.shape_cast %select_n3A_88 : vector<8x2048xf32> to vector<1x8x2048xf32>
      %reduce_sum3A_90 = arith.constant dense<0.000000e+00> : vector<1xf32>
      %reduce_sum3A_91 = vector.multi_reduction <add>, %reduce_sum3A_89, %reduce_sum3A_90 [1, 2] : vector<1x8x2048xf32> to vector<1xf32>
      %reduce_sum3A_92 = vector.shape_cast %reduce_sum3A_91 : vector<1xf32> to vector<1x1x1xf32>
      %reduce_sum3A_93 = vector.extract %reduce_sum3A_92[0, 0, 0] : f32 from vector<1x1x1xf32>
      %add3A_94 = arith.addf %while3A_58, %reduce_sum3A_93 : f32
      scf.yield %add3A_94 : f32
    }
    %eq3A_47 = arith.constant 0 : i32
    %eq3A_48 = arith.cmpi eq, %arg0, %eq3A_47 : i32
    %convert_element_type3A_49 = arith.extui %eq3A_48 : i1 to i32
    %cond3A_50 = arith.constant 0 : i32
    %cond3A_51 = arith.cmpi ne, %convert_element_type3A_49, %cond3A_50 : i32
    scf.if %cond3A_51 {
      %get3A_57 = arith.constant 0 : index
      %get3A_58 = arith.constant 0 : index
      %get3A_59 = vector.load %arg5[%get3A_57, %get3A_58] : memref<16384x128xf32, #tpu.memory_space<vmem>>, vector<16384x64xf32>
      %mul3A_60 = arith.mulf %get3A_59, %get3A_59 : vector<16384x64xf32>
      %reduce_sum3A_61 = vector.shape_cast %mul3A_60 : vector<16384x64xf32> to vector<1x16384x64xf32>
      %reduce_sum3A_62 = arith.constant dense<0.000000e+00> : vector<1xf32>
      %reduce_sum3A_63 = vector.multi_reduction <add>, %reduce_sum3A_61, %reduce_sum3A_62 [1, 2] : vector<1x16384x64xf32> to vector<1xf32>
      %reduce_sum3A_64 = vector.shape_cast %reduce_sum3A_63 : vector<1xf32> to vector<1x1x1xf32>
      %reduce_sum3A_65 = vector.extract %reduce_sum3A_64[0, 0, 0] : f32 from vector<1x1x1xf32>
      %add3A_66 = arith.addf %while3A_46, %reduce_sum3A_65 : f32
      %broadcast_in_dim3A_67 = vector.broadcast %add3A_66 : f32 to vector<1x8x128xf32>
      %swap3A = arith.constant 0 : index
      %swap3A_68 = arith.constant 0 : index
      %swap3A_69 = arith.constant 0 : index
      %swap3A_70 = vector.load %arg4[%swap3A, %swap3A_68, %swap3A_69] : memref<1x8x128xf32, #tpu.memory_space<vmem>>, vector<1x8x128xf32>
      tpu.vector_store %arg4[%swap3A, %swap3A_68, %swap3A_69], %broadcast_in_dim3A_67 {strides = array<i32>} : memref<1x8x128xf32, #tpu.memory_space<vmem>>, vector<1x8x128xf32>,
    } else {
    }
    %ne3A_52 = arith.constant 0 : i32
    %ne3A_53 = arith.cmpi ne, %arg0, %ne3A_52 : i32
    %convert_element_type3A_54 = arith.extui %ne3A_53 : i1 to i32
    %cond3A_55 = arith.constant 0 : i32
    %cond3A_56 = arith.cmpi ne, %convert_element_type3A_54, %cond3A_55 : i32
    scf.if %cond3A_56 {
      %broadcast_in_dim3A_57 = vector.broadcast %while3A_46 : f32 to vector<1x8x128xf32>
      %swap3A = arith.constant 0 : index
      %swap3A_58 = arith.constant 0 : index
      %swap3A_59 = arith.constant 0 : index
      %swap3A_60 = vector.load %arg4[%swap3A, %swap3A_58, %swap3A_59] : memref<1x8x128xf32, #tpu.memory_space<vmem>>, vector<1x8x128xf32>
      tpu.vector_store %arg4[%swap3A, %swap3A_58, %swap3A_59], %broadcast_in_dim3A_57 {strides = array<i32>} : memref<1x8x128xf32, #tpu.memory_space<vmem>>, vector<1x8x128xf32>,
    } else {
    }
    return
  }
  func.func @transform_1(%arg0: i32, %arg1: memref<490xi32, #tpu.memory_space<smem>>) -> (i32, i32) {
    %c0_i32 = arith.constant 0 : i32
    %c0_i32_0 = arith.constant 0 : i32
    return %c0_i32, %arg0 : i32, i32
  }
  func.func @transform_2(%arg0: i32, %arg1: memref<490xi32, #tpu.memory_space<smem>>) -> (i32, i32, i32) {
    %c0_i32 = arith.constant 0 : i32
    %c0_i32_0 = arith.constant 0 : i32
    %c0_i32_1 = arith.constant 0 : i32
    return %arg0, %c0_i32, %c0_i32_0 : i32, i32, i32
  }
}

</mosaic_0001>

<sc_bundles>
// kernel: gather_offload_async_start.1
scs
__scs_entry_jumppad:
0x0: {  	(pc) =	sbr.rel $0x88, $3  }
0x1: {  	(tag) =	ssettag $0x0;
	lr =	simm.s32 $0x1  }
0x2: {  	[smem:$0x3F9E] =	sst lr;
	_ =	strace $0xD0000000  }
0x3: {  	_ = 	snop  }
0x4: {  	_ = 	snop  }
0x5: {  	_ = 	snop  }
0x6: {  	_ = 	snop  }
0x7: {  	_ = 	snop  }
__scs_overlays_trampoline_lowered:
0x8: {  	[smem:$0x3FAD] =	sst s0  }
0x9: {  	[smem:$0x3FAE] =	sst s1  }
0xa: {  	[smem:$0x3FAF] =	sst s2  }
0xb: {  	[smem:$0x3FB0] =	sst s3  }
0xc: {  	[smem:$0x3FB1] =	sst s4  }
0xd: {  	[smem:$0x3FB2] =	sst s5  }
0xe: {  	[smem:$0x3FB3] =	sst s6  }
0xf: {  	[smem:$0x3FB4] =	sst s7  }
0x10: {  	[smem:$0x3FB5] =	sst s8  }
0x11: {  	[smem:$0x3FB6] =	sst s9;
	s0 =	simm.s32 @!p0 $0x0  }
0x12: {  	s1 =	sld [smem:$0x3F9C];
	s0 =	simm.s32 @p0 $0x1  }
0x13: {  	[smem:$0x3FB7] =	sst s0;
	s0 =	simm.s32 @!p1 $0x0  }
0x14: {  	s2 =	sld [smem:$0x3F9B];
	s0 =	simm.s32 @p1 $0x1  }
0x15: {  	[smem:$0x3FB8] =	sst s0;
	s0 =	simm.s32 @!p2 $0x0  }
0x16: {  	s3 =	sld [smem:$0x3FDB];
	s0 =	simm.s32 @p2 $0x1  }
0x17: {  	s4 =	simm.s32 $0x1BF5;
	[smem:$0x3FBA] =	sst s0  }
0x18: {  	s0 =	sld [smem:$0x3F9D];
	_ =	swait.ge [sflag:s4], $0x0  }
0x19: {  	s7 =	sld [smem:$0x3F9E]  }
0x1a: {  	s8 =	sadd.s32 $0xFFFFE003, lr  }
0x1b: {  	s9 =	sadd.s32 $0xFFFFFEF7, lr;
	s5 =	simm.s32 $0xFFFFFFFF;
	p2 =	slt.u32 s8, $0xFFFFF086  }
0x1c: {  	p1 =	slt.u32 s9, $0xF7A;
	s5 =	simm.s32 @!p2 $0x0  }
0x1d: {  	s5 =	simm.s32 @p1 $0x1;
	p0 =	seq.s32 s7, s2  }
0x1e: {  	s7 =	smul.u32 @!p0 $0xF7A, s2;
	p2 =	seq.s32 @!p0 s5, $0x0  }
0x1f: {  	s9 =	smul.u32 $0xF7A, s1;
	s8 =	simm.s32 @!p0 $0x1BF5;
	p2 =	por !p2, p0  }
0x20: {  	[sflag:s8] =	ssyncset.s32 @!p0 $0xFFFFF086;
	s6 =	sadd.s32 @!p0 s3, s7;
	s7 =	simm.s32 @!p0 $0x108  }
0x21: {  	s3 =	sadd.s32 s3, s9;
	s6 =	sadd.s32 @!p0 $0x88, s6;
	s7 =	simm.s32 @p2 $0x1082  }
0x22: {  	[simem:s7], [sflag:s8] =	dma.local @!p0 [hbm:s6], $0xF7A  }
0x23: {  	s9 =	sor.u32 $0xD0000000, s2;
	s6 =	simm.s32 $0x108;
	_ =	swait.ge @!p0 [sflag:s8], $0x0  }
0x24: {  	s3 =	sadd.s32 $0x88, s3;
	s6 =	simm.s32 @!p1 $0x1082;
	[sflag:s4] =	ssyncset.s32 $0xFFFFF086  }
0x25: {  	[simem:s6], [sflag:s4] =	dma.local [hbm:s3], $0xF7A  }
0x26: {  	[smem:$0x3F9E] =	sst s1;
	(tag) =	ssettag s2;
	_ =	strace s9  }
0x27: {  	s1 =	sld [smem:$0x3FAE]  }
0x28: {  	s2 =	sld [smem:$0x3FAF]  }
0x29: {  	s4 =	sld [smem:$0x3FB1]  }
0x2a: {  	p0 =	seq.s32 s5, $0x0;
	s5 =	sld [smem:$0x3FB2]  }
0x2b: {  	s6 =	sld [smem:$0x3FB3]  }
0x2c: {  	s7 =	sld [smem:$0x3FB4]  }
0x2d: {  	s3 =	simm.s32 $0x108;
	s8 =	sld [smem:$0x3FB5]  }
0x2e: {  	s3 =	simm.s32 @!p0 $0x1082;
	s9 =	sld [smem:$0x3FB6]  }
0x2f: {  	lr =	sadd.s32 s0, s3;
	s0 =	sld [smem:$0x3FAD]  }
0x30: {  	s3 =	sld [smem:$0x3FB0]  }
0x31: {  	[smem:$0x3FB9] =	sst s10  }
0x32: {  	s10 =	sld [smem:$0x3FB7];
	_ =	sdelay $0x3  }
0x33: {  	p0 =	seq.s32 s10, $0x1;
	s10 =	sld [smem:$0x3FB9];
	_ =	sdelay $0x3  }
0x34: {  	[smem:$0x3FB9] =	sst s10  }
0x35: {  	s10 =	sld [smem:$0x3FB8];
	_ =	sdelay $0x3  }
0x36: {  	p1 =	seq.s32 s10, $0x1;
	s10 =	sld [smem:$0x3FB9];
	_ =	sdelay $0x3  }
0x37: {  	[smem:$0x3FB9] =	sst s10  }
0x38: {  	s10 =	sld [smem:$0x3FBA]  }
0x39: {  	_ = 	snop;
	(pc) =	sbr.ind lr, $3  }
0x3a: {  	_ = 	snop  }
0x3b: {  	_ = 	snop  }
0x3c: {  	p2 =	seq.s32 s10, $0x1;
	s10 =	sld [smem:$0x3FB9]  }
0x3d: {  	_ =	shalt  }
0x3e: {  	_ =	shalt  }
0x3f: {  	_ =	shalt  }
0x40: {  	_ =	shalt  }
0x41: {  	_ =	shalt  }
0x42: {  	_ =	shalt  }
0x43: {  	_ =	shalt  }
0x44: {  	_ =	shalt  }
0x45: {  	_ =	shalt  }
0x46: {  	_ =	shalt  }
0x47: {  	_ =	shalt  }
0x48: {  	_ =	shalt  }
0x49: {  	_ =	shalt  }
0x4a: {  	_ =	shalt  }
0x4b: {  	_ =	shalt  }
0x4c: {  	_ =	shalt  }
0x4d: {  	_ =	shalt  }
0x4e: {  	_ =	shalt  }
0x4f: {  	_ =	shalt  }
0x50: {  	_ =	shalt  }
0x51: {  	_ =	shalt  }
0x52: {  	_ =	shalt  }
0x53: {  	_ =	shalt  }
0x54: {  	_ =	shalt  }
0x55: {  	_ =	shalt  }
0x56: {  	_ =	shalt  }
0x57: {  	_ =	shalt  }
0x58: {  	_ =	shalt  }
0x59: {  	_ =	shalt  }
0x5a: {  	_ =	shalt  }
0x5b: {  	_ =	shalt  }
0x5c: {  	_ =	shalt  }
0x5d: {  	_ =	shalt  }
0x5e: {  	_ =	shalt  }
0x5f: {  	_ =	shalt  }
0x60: {  	_ =	shalt  }
0x61: {  	_ =	shalt  }
0x62: {  	_ =	shalt  }
0x63: {  	_ =	shalt  }
0x64: {  	_ =	shalt  }
0x65: {  	_ =	shalt  }
0x66: {  	_ =	shalt  }
0x67: {  	_ =	shalt  }
0x68: {  	_ =	shalt  }
0x69: {  	_ =	shalt  }
0x6a: {  	_ =	shalt  }
0x6b: {  	_ =	shalt  }
0x6c: {  	_ =	shalt  }
0x6d: {  	_ =	shalt  }
0x6e: {  	_ =	shalt  }
0x6f: {  	_ =	shalt  }
0x70: {  	_ =	shalt  }
0x71: {  	_ =	shalt  }
0x72: {  	_ =	shalt  }
0x73: {  	_ =	shalt  }
0x74: {  	_ =	shalt  }
0x75: {  	_ =	shalt  }
0x76: {  	_ =	shalt  }
0x77: {  	_ =	shalt  }
0x78: {  	_ =	shalt  }
0x79: {  	_ =	shalt  }
0x7a: {  	_ =	shalt  }
0x7b: {  	_ =	shalt  }
0x7c: {  	_ =	shalt  }
0x7d: {  	_ =	shalt  }
0x7e: {  	_ =	shalt  }
0x7f: {  	_ =	shalt  }
0x80: {  	_ =	shalt  }
0x81: {  	_ =	shalt  }
0x82: {  	_ =	shalt  }
0x83: {  	_ =	shalt  }
0x84: {  	_ =	shalt  }
0x85: {  	_ =	shalt  }
0x86: {  	_ =	shalt  }
0x87: {  	_ =	shalt  }
.Lfunc_end0:
.L_simem_size_0:
called_computation.1_lowered:
.L_overlay_start_0:
0x88: {  	s2 =	sld [smem:$0x3FD9]  }
0x89: {  	s3 =	sld [smem:$0x3FFE];
	_ =	sdelay $0x1  }
0x8a: {  	s1 =	srdreg.scid  }
0x8b: {  	s0 =	sand.u32 $0x1, s1  }
0x8c: {  	s17 =	sshll.u32 s0, $0xA;
	s2 =	sadd.s32 s3, s2  }
0x8d: {  	s2 =	sadd.s32 s2, s17  }
0x8e: {  	[smem:$0x3FC5] =	sst s2  }
0x8f: {  	_ = 	snop  }
0x90: {  	(tm) =	ssettm $0x1  }
0x91: {  	s18 =	sld [smem:$0x3FFB];
	_ =	sdelay $0x3  }
0x92: {  	_ =	strace s18  }
0x93: {  	s2 =	sld [smem:$0x3FFC];
	_ =	sdelay $0x3  }
0x94: {  	_ =	strace s2  }
0x95: {  	s2 =	sld [smem:$0x3FFD];
	_ =	sdelay $0x3  }
0x96: {  	_ =	strace s2  }
0x97: {  	_ =	strace $0x8FFFFFFF  }
0x98: {  	s19 =	sld [smem:$0x3FDB];
	_ =	sdelay $0x1  }
0x99: {  	s20 =	simm.s32 $_scs_section_size  }
0x9a: {  	s4 =	simm.s32 $_size__tile_overlayer_lowered;
	s5 =	simm.s32 $_tile_overlayer_lowered  }
0x9b: {  	s6 =	simm.s32 $0x1BFF;
	s21 =	sshll.u32 s5, $0x1;
	s3 =	sadd.s32 s20, s19  }
0x9c: {  	s22 =	simm.s32 $0x0;
	s4 =	sshll.u32 s4, $0x1;
	s5 =	sadd.s32 s21, s3  }
0x9d: {  	[timem:s22], [sflag:s6] =	dma.local [hbm:s5], s4  }
0x9e: {  	_ =	swait.ge [sflag:s6], s4  }
0x9f: {  	s4 =	ssub.s32 $0x0, s4;
	[sflag:s6] =	ssyncset.done $0x0  }
0xa0: {  	[sflag:s6] =	ssyncadd.s32 s4;
	_ =	sdelay $0x1  }
0xa1: {  	s23 =	simm.s32 $0x1B8B  }
0xa2: {  	_ =	swait.ge [sflag:s23], $0x1  }
0xa3: {  	[sflag:s23] =	ssyncset.done $0x0  }
0xa4: {  	[sflag:s23] =	ssyncadd.s32 $0xFFFFFFFF  }
0xa5: {  	s4 =	sld [smem:$0x0]  }
0xa6: {  	s5 =	sand.u32 $0xFFFFFFFE, s1  }
0xa7: {  	p0 =	sne.s32 s1, s5  }
0xa8: {  	s5 =	sshll.u32 @p0 s5, $0xE  }
0xa9: {  	s5 =	sadd.s32 @p0 $0x11B8D, s5;
	s6 =	sshll.u32 @p0 s4, $0x11  }
0xaa: {  	s5 =	sor.u32 @p0 s6, s5  }
0xab: {  	[sflag:s5] =	ssyncadd.remote.s32 @p0 $0x1;
	_ =	sdelay $0x1  }
0xac: {  	s5 =	simm.s32 @p0 $0x1B8D  }
0xad: {  	_ =	swait.eq @p0 [sflag:s5], $0x1  }
0xae: {  	[sflag:s5] =	ssyncadd.s32 @p0 $0xFFFFFFFF  }
0xaf: {  	s6 =	sshll.u32 @!p0 s1, $0xE  }
0xb0: {  	s6 =	sor.u32 @!p0 $0x4000, s6;
	s5 =	simm.s32 @!p0 $0x1B8D  }
0xb1: {  	s4 =	sshll.u32 @!p0 s4, $0x11;
	s6 =	sadd.s32 @!p0 $0x11B8D, s6;
	_ =	swait.eq @!p0 [sflag:s5], $0x1  }
0xb2: {  	s4 =	sor.u32 @!p0 s4, s6;
	[sflag:s5] =	ssyncadd.s32 @!p0 $0xFFFFFFFF  }
0xb3: {  	s25 =	simm.s32 $0x1B8E;
	s24 =	sld [smem:$0x3FFE];
	[sflag:s4] =	ssyncadd.remote.s32 @!p0 $0x1  }
0xb4: {  	s26 =	simm.s32 $execute0_lowered;
	[smem:$0x3FD2] =	sst s25  }
0xb5: {  	s5 =	sshll.u32 s26, $0x1;
	_ =	strace $0x80000049;
	[dreg:$0x1] =	wrdreg $0xFFFFFFFF  }
0xb6: {  	s28 =	simm.s32 $_size_execute0_lowered;
	s3 =	sadd.s32 s3, s5;
	[dreg:$0x0] =	wrdreg $0x0  }
0xb7: {  	s5 =	sshll.u32 s28, $0x1;
	[dreg:$0x2] =	wrdreg s3  }
0xb8: {  	[dreg:$0x3] =	wrdreg s5  }
0xb9: {  	[dreg:$0x4] =	wrdreg $0xC0  }
0xba: {  	_ =	task [dreg:s22], $0x5FFFF  }
0xbb: {  	[dreg:$0x1] =	wrdreg $0xFFFFFFFF  }
0xbc: {  	[dreg:$0x0] =	wrdreg $0x60  }
0xbd: {  	[dreg:$0x2] =	wrdreg s24  }
0xbe: {  	[dreg:$0x3] =	wrdreg $0xA  }
0xbf: {  	_ =	task.clear_ibuf [dreg:s22], $0x4FFFF;
	_ =	strace $0x90000049  }
0xc0: {  	s29 =	simm.s32 $0xA;
	_ =	strace $0x8000004B  }
0xc1: {  	_ =	swait.ge [sflag:s29], $0x1  }
0xc2: {  	[sflag:s29] =	ssyncadd.s32 $0xFFFFFFFF  }
0xc3: {  	_ =	strace $0x9000004B  }
0xc4: {  	_ =	sfence  }
0xc5: {  	s30 =	sld [smem:$0x0];
	_ =	sdelay $0x2  }
0xc6: {  	s31 =	sshll.u32 s1, $0xD;
	s1 =	sshrl.u32 s1, $0x2  }
0xc7: {  	s4 =	sand.u32 $0x4000, s31;
	s1 =	sadd.s32 s1, s30  }
0xc8: {  	s0 =	sor.u32 s4, s0;
	s1 =	sshll.u32 s1, $0x11  }
0xc9: {  	s0 =	sor.u32 s1, s0  }
0xca: {  	s0 =	sadd.s32 $0x8F2B, s0  }
0xcb: {  	[sflag:s0] =	ssyncadd.remote.s32 $0x1  }
0xcc: {  	_ =	sfence.sel $0xFFFF  }
0xcd: {  	[dreg:$0x0] =	wrdreg $0xFFFFFFFF;
	(pc) =	sbr.abs _section_cstart, $3  }
0xce: {  	[dreg:$0x1] =	wrdreg $0xFFFFFFFF  }
0xcf: {  	_ =	task.clear_ibuf [dreg:s22], $0x2FFFF;
	_ =	strace $0x9FFFFFFF  }
0xd0: {  	(tm) =	ssettm $0x7FFFFFFF  }
0xd1: {  	_ =	shalt  }
tec
execute0_lowered:
.L_overlay_start_1:
0x0: {  	(tag) =	ssettag $0x1  }
0x1: {  	s2 =	rddreg [dreg:$0x0]  }
0x2: {  	s0 =	rddreg [dreg:$0x1]  }
0x3: {  	s1 =	srdreg.scid;
	_ =	strace $0x8000004A;
	s4 =	simm.s32 $0x1  }
0x4: {  	s9 =	simm.s32 $0x3;
	s11 =	simm.s32 $0x0;
	s5 =	sshll.u32 s1, $0x4  }
.Ltmp0:
0x5: {  	s1 =	stileid.u32;
	s5 =	sand.u32 $0x10, s5;
	(pc) =	sbr.rel .LBB2_1-.Ltmp0, $4  }
0x6: {  	p0 =	por $0x0, $0x0;
	s3 =	sadd.s32 $0x800, s2;
	s6 =	sor.u32 s1, s5  }
0x7: {  	[sflag:s4] =	ssyncpa.u1 $0x0;
	s5 =	simm.s32 $0x2;
	s6 =	sshll.u32 s6, $0x9  }
0x8: {  	s7 =	sadd.s32 $0x41000, s2;
	[sflag:s5] =	ssyncpa.u1 $0x0;
	s8 =	sadd.s32 $0x200, s6  }
0x9: {  	vm0 =	vmmov $0xff;
	vm1 =	vcmask $0x3F20;
	[sflag:s9] =	ssyncpa.u1 $0x0;
	s10 =	smov.u32 s6;
	s9 =	simm.s32 $0x0  }
.LBB2_7:
0xa: {  	p1 =	slt.u32 s9, $0x2;
	s11 =	sadd.s32 $0x100, s10  }
0xb: {  	s13 =	smov.u32 s6;
	s9 =	sadd.s32 $0x1, s9;
	p2 =	slt.s32 s11, s8  }
0xc: {  	s13 =	smov.u32 @p2 s11;
	p2 =	sne.s32 s9, $0x4  }
.Ltmp1:
0xd: {  	_ = 	snop;
	(pc) =	sbr.rel @!p2 .LBB2_8-.Ltmp1, $4  }
0xe: {  	s12 =	simm.s32 @!p1 $0x3  }
0xf: {  	_ =	swait.ge @!p1 [sflag:s12], $0x8000  }
0x10: {  	p0 =	por !p0, !p0;
	[sflag:s12] =	ssyncset.done @!p1 $0x0  }
0x11: {  	s11 =	smov.u32 s10;
	s10 =	smov.u32 s13;
	[sflag:s12] =	ssyncadd.s32 @!p1 $0xFFFF8000  }
.LBB2_1:
0x12: {  	p1 =	sgt.u32 s9, $0x1  }
0x13: {  	s12 =	sshll.u32 @!p1 s9, $0x8;
	s13 =	sshrl.u32 @!p1 s10, $0x3  }
0x14: {  	s14 =	sand.u32 @!p1 $0x7, s10;
	s12 =	sxor.u32 @!p1 $0x100, s12;
	s13 =	sadd.s32 @!p1 s2, s13  }
0x15: {  	[tilespmem:s12], [sflag:$0x2] =	stream.linear.gather @!p1 [hbm4b:s13+s14], $0x100, $0x38;
	[tilespmem:$0x10200] =	vst v63  }
0x16: {  	p1 =	seq.s32 s9, $0x0  }
0x17: {  	p2 =	seq.s32 @!p1 s9, $0x3  }
0x18: {  	p1 =	por p1, p2  }
.Ltmp2:
0x19: {  	_ = 	snop;
	(pc) =	sbr.rel @p1 .LBB2_7-.Ltmp2, $1  }
0x1a: {  	_ =	sdelay $0x3  }
0x1b: {  	s12 =	simm.s32 $0x1  }
0x1c: {  	_ =	swait.ge [sflag:s5], $0x100;
	s12 =	simm.s32 @!p0 $0x0  }
0x1d: {  	[sflag:s5] =	ssyncset.done $0x0;
	s14 =	sshll.u32 s12, $0x8  }
0x1e: {  	[sflag:s5] =	ssyncadd.s32 $0xFFFFFF00;
	s13 =	sadd.s32 $0x0, s14  }
0x1f: {  	v0 =	vld.msk [tilespmem:s13+$0x0 ss:$0x1], $0xffff;
	_ =	sdelay $0x4  }
0x20: {  	vm2 =	vgt.s32 v0, $0x0  }
0x21: {  	v0 =	vnsel vm2, $0x0, v0  }
0x22: {  	v0 =	vmin.u32 v0, $0x3FFF  }
0x23: {  	v0 =	vshll.u32 v0, $0x4;
	_ =	sdelay $0x2  }
0x24: {  	s12 =	sshll.u32 s12, $0xF  }
0x25: {  	s12 =	sor.u32 $0x200, s12  }
0x26: {  	[tilespmem:s12], [sflag:$0x1] =	stream.indirect_vreg.gather [hbm:s3], $0x80, v0, vm0, $0x38;
	[tilespmem:$0x10200] =	vst v63  }
0x27: {  	s15 =	sadd.s32 $0x10, s14;
	s13 =	sadd.s32 $0x400, s12  }
0x28: {  	[tilespmem:s13], [sflag:$0x1] =	stream.indirect_vreg.gather [hbm:s3], $0x80, v0, vm1, $0x38;
	[tilespmem:$0x10200] =	vst v63  }
0x29: {  	s16 =	simm.s32 $0x80;
	v0 =	vld.msk [tilespmem:s15+$0x0 ss:$0x1], $0xffff;
	s15 =	smov.u32 s12  }
.LBB2_3:
0x2a: {  	p1 =	sne.s32 s16, $0x3C0;
	_ =	sdelay $0x4  }
0x2b: {  	vm2 =	vgt.s32 v0, $0x0  }
0x2c: {  	v0 =	vnsel vm2, $0x0, v0  }
0x2d: {  	v0 =	vmin.u32 v0, $0x3FFF  }
0x2e: {  	v0 =	vshll.u32 v0, $0x4;
	_ =	sdelay $0x3  }
.Ltmp3:
0x2f: {  	s17 =	sshra.s32 s16, $0x2;
	s15 =	sadd.s32 $0x800, s15;
	(pc) =	sbr.rel @p1 .LBB2_3-.Ltmp3, $4  }
0x30: {  	[tilespmem:s15], [sflag:$0x1] =	stream.indirect_vreg.gather [hbm:s3], $0x80, v0, vm0, $0x38;
	[tilespmem:$0x10200] =	vst v63  }
0x31: {  	s17 =	sadd.s32 s17, s14;
	s18 =	sadd.s32 $0x400, s15  }
0x32: {  	[tilespmem:s18], [sflag:$0x1] =	stream.indirect_vreg.gather [hbm:s3], $0x80, v0, vm1, $0x38;
	[tilespmem:$0x10200] =	vst v63  }
0x33: {  	s16 =	sadd.s32 $0x40, s16;
	v0 =	vld.msk [tilespmem:s17+$0x0 ss:$0x1], $0xffff  }
0x34: {  	_ =	sdelay $0x3  }
0x35: {  	vm2 =	vgt.s32 v0, $0x0  }
0x36: {  	v0 =	vnsel vm2, $0x0, v0  }
0x37: {  	v0 =	vmin.u32 v0, $0x3FFF  }
0x38: {  	v0 =	vshll.u32 v0, $0x4;
	_ =	sdelay $0x3  }
0x39: {  	s14 =	sadd.s32 $0x800, s15  }
0x3a: {  	[tilespmem:s14], [sflag:$0x1] =	stream.indirect_vreg.gather [hbm:s3], $0x80, v0, vm0, $0x38;
	[tilespmem:$0x10200] =	vst v63  }
0x3b: {  	s14 =	sadd.s32 $0x400, s14  }
0x3c: {  	[tilespmem:s14], [sflag:$0x1] =	stream.indirect_vreg.gather [hbm:s3], $0x80, v0, vm1, $0x38;
	[tilespmem:$0x10200] =	vst v63  }
0x3d: {  	s11 =	sshll.u32 s11, $0x4;
	_ =	swait.ge [sflag:s4], $0x8000  }
0x3e: {  	s11 =	sadd.s32 s11, s7;
	[sflag:s4] =	ssyncset.done $0x0  }
0x3f: {  	s15 =	sadd.s32 $0x0, s11;
	s14 =	simm.s32 $0x80;
	[sflag:s4] =	ssyncadd.s32 $0xFFFF8000  }
.LBB2_5:
0x40: {  	[hbm:s15] =	stream.linear.scatter [tilespmem:s12], [sflag:$0x3], $0x400, $0x38;
	[tilespmem:$0x10200] =	vst v63  }
0x41: {  	s15 =	smov.u32 s14;
	s12 =	smov.u32 s13;
	p1 =	sne.s32 s14, $0xF80  }
.Ltmp4:
0x42: {  	s14 =	sadd.s32 $0x80, s14;
	(pc) =	sbr.rel @p1 .LBB2_5-.Ltmp4, $2  }
0x43: {  	_ =	sdelay $0x2  }
0x44: {  	s13 =	sadd.s32 $0x400, s13;
	s15 =	sadd.s32 s15, s11  }
.Ltmp5:
0x45: {  	(pc) =	sbr.rel .LBB2_7-.Ltmp5, $2  }
0x46: {  	_ =	sdelay $0x2  }
0x47: {  	[hbm:s15] =	stream.linear.scatter [tilespmem:s12], [sflag:$0x3], $0x400, $0x38;
	[tilespmem:$0x10200] =	vst v63  }
.LBB2_8:
0x48: {  	_ =	sfence.sel $0x180000  }
0x49: {  	s2 =	simm.s32 $0x2;
	[bflag:$0x0] =	sbarrier.arrive $0xFFFF  }
0x4a: {  	s30 =	simm.s32 $0x3;
	[sflag:s2] =	ssyncpa.u1 $0x1  }
0x4b: {  	s31 =	simm.s32 $0x1;
	[sflag:s30] =	ssyncpa.u1 $0x1  }
0x4c: {  	[sflag:s31] =	ssyncpa.u1 $0x1  }
0x4d: {  	p0 =	sne.s32 s1, $0x0;
	_ =	strace $0x9000004A  }
0x4e: {  	s0 =	sadd.s32 @!p0 $0x100000, s0;
	[bflag:$0x2] =	sbarrier.arrive $0xFFFF  }
0x4f: {  	[sflag:s0] =	ssyncadd.tile.s32 @!p0 $0x1;
	_ =	shalt  }
.Lfunc_end2:
_tile_overlayer_lowered:
.L_overlay_start_2:
0x50: {  	(tag) =	ssettag $0x2  }
0x51: {  	s0 =	rddreg [dreg:$0x0];
	s2 =	stileid.u32  }
0x52: {  	s1 =	rddreg [dreg:$0x1];
	p0 =	sne.s32 s2, $0x0  }
0x53: {  	s3 =	rddreg [dreg:$0x2];
	[bflag:$0x3] =	sbarrier.arrive $0xFFFF;
	s2 =	simm.s32 @!p0 $0x1C01  }
0x54: {  	[timem:s3], [sflag:s2] =	dma.local @!p0 [hbm:s0], s1  }
0x55: {  	s0 =	simm.s32 @!p0 $0x1  }
0x56: {  	_ =	swait.ge @!p0 [sflag:s0], s1  }
0x57: {  	s1 =	ssub.s32 @!p0 $0x0, s1;
	[sflag:s0] =	ssyncset.done @!p0 $0x0  }
0x58: {  	[sflag:s0] =	ssyncadd.s32 @!p0 s1  }
0x59: {  	[bflag:$0x3] =	sbarrier.arrive $0xFFFF  }
0x5a: {  	_ =	shalt  }

// kernel: gather_offload_async_start
scs
__scs_entry_jumppad:
0x0: {  	(pc) =	sbr.rel $0x88, $3  }
0x1: {  	(tag) =	ssettag $0x0;
	lr =	simm.s32 $0x1  }
0x2: {  	[smem:$0x3F9E] =	sst lr;
	_ =	strace $0xD0000000  }
0x3: {  	_ = 	snop  }
0x4: {  	_ = 	snop  }
0x5: {  	_ = 	snop  }
0x6: {  	_ = 	snop  }
0x7: {  	_ = 	snop  }
__scs_overlays_trampoline_lowered:
0x8: {  	[smem:$0x3FAD] =	sst s0  }
0x9: {  	[smem:$0x3FAE] =	sst s1  }
0xa: {  	[smem:$0x3FAF] =	sst s2  }
0xb: {  	[smem:$0x3FB0] =	sst s3  }
0xc: {  	[smem:$0x3FB1] =	sst s4  }
0xd: {  	[smem:$0x3FB2] =	sst s5  }
0xe: {  	[smem:$0x3FB3] =	sst s6  }
0xf: {  	[smem:$0x3FB4] =	sst s7  }
0x10: {  	[smem:$0x3FB5] =	sst s8  }
0x11: {  	[smem:$0x3FB6] =	sst s9;
	s0 =	simm.s32 @!p0 $0x0  }
0x12: {  	s1 =	sld [smem:$0x3F9C];
	s0 =	simm.s32 @p0 $0x1  }
0x13: {  	[smem:$0x3FB7] =	sst s0;
	s0 =	simm.s32 @!p1 $0x0  }
0x14: {  	s2 =	sld [smem:$0x3F9B];
	s0 =	simm.s32 @p1 $0x1  }
0x15: {  	[smem:$0x3FB8] =	sst s0;
	s0 =	simm.s32 @!p2 $0x0  }
0x16: {  	s3 =	sld [smem:$0x3FDB];
	s0 =	simm.s32 @p2 $0x1  }
0x17: {  	s4 =	simm.s32 $0x1BF5;
	[smem:$0x3FBA] =	sst s0  }
0x18: {  	s0 =	sld [smem:$0x3F9D];
	_ =	swait.ge [sflag:s4], $0x0  }
0x19: {  	s7 =	sld [smem:$0x3F9E]  }
0x1a: {  	s8 =	sadd.s32 $0xFFFFE003, lr  }
0x1b: {  	s9 =	sadd.s32 $0xFFFFFEF7, lr;
	s5 =	simm.s32 $0xFFFFFFFF;
	p2 =	slt.u32 s8, $0xFFFFF086  }
0x1c: {  	p1 =	slt.u32 s9, $0xF7A;
	s5 =	simm.s32 @!p2 $0x0  }
0x1d: {  	s5 =	simm.s32 @p1 $0x1;
	p0 =	seq.s32 s7, s2  }
0x1e: {  	s7 =	smul.u32 @!p0 $0xF7A, s2;
	p2 =	seq.s32 @!p0 s5, $0x0  }
0x1f: {  	s9 =	smul.u32 $0xF7A, s1;
	s8 =	simm.s32 @!p0 $0x1BF5;
	p2 =	por !p2, p0  }
0x20: {  	[sflag:s8] =	ssyncset.s32 @!p0 $0xFFFFF086;
	s6 =	sadd.s32 @!p0 s3, s7;
	s7 =	simm.s32 @!p0 $0x108  }
0x21: {  	s3 =	sadd.s32 s3, s9;
	s6 =	sadd.s32 @!p0 $0x88, s6;
	s7 =	simm.s32 @p2 $0x1082  }
0x22: {  	[simem:s7], [sflag:s8] =	dma.local @!p0 [hbm:s6], $0xF7A  }
0x23: {  	s9 =	sor.u32 $0xD0000000, s2;
	s6 =	simm.s32 $0x108;
	_ =	swait.ge @!p0 [sflag:s8], $0x0  }
0x24: {  	s3 =	sadd.s32 $0x88, s3;
	s6 =	simm.s32 @!p1 $0x1082;
	[sflag:s4] =	ssyncset.s32 $0xFFFFF086  }
0x25: {  	[simem:s6], [sflag:s4] =	dma.local [hbm:s3], $0xF7A  }
0x26: {  	[smem:$0x3F9E] =	sst s1;
	(tag) =	ssettag s2;
	_ =	strace s9  }
0x27: {  	s1 =	sld [smem:$0x3FAE]  }
0x28: {  	s2 =	sld [smem:$0x3FAF]  }
0x29: {  	s4 =	sld [smem:$0x3FB1]  }
0x2a: {  	p0 =	seq.s32 s5, $0x0;
	s5 =	sld [smem:$0x3FB2]  }
0x2b: {  	s6 =	sld [smem:$0x3FB3]  }
0x2c: {  	s7 =	sld [smem:$0x3FB4]  }
0x2d: {  	s3 =	simm.s32 $0x108;
	s8 =	sld [smem:$0x3FB5]  }
0x2e: {  	s3 =	simm.s32 @!p0 $0x1082;
	s9 =	sld [smem:$0x3FB6]  }
0x2f: {  	lr =	sadd.s32 s0, s3;
	s0 =	sld [smem:$0x3FAD]  }
0x30: {  	s3 =	sld [smem:$0x3FB0]  }
0x31: {  	[smem:$0x3FB9] =	sst s10  }
0x32: {  	s10 =	sld [smem:$0x3FB7];
	_ =	sdelay $0x3  }
0x33: {  	p0 =	seq.s32 s10, $0x1;
	s10 =	sld [smem:$0x3FB9];
	_ =	sdelay $0x3  }
0x34: {  	[smem:$0x3FB9] =	sst s10  }
0x35: {  	s10 =	sld [smem:$0x3FB8];
	_ =	sdelay $0x3  }
0x36: {  	p1 =	seq.s32 s10, $0x1;
	s10 =	sld [smem:$0x3FB9];
	_ =	sdelay $0x3  }
0x37: {  	[smem:$0x3FB9] =	sst s10  }
0x38: {  	s10 =	sld [smem:$0x3FBA]  }
0x39: {  	_ = 	snop;
	(pc) =	sbr.ind lr, $3  }
0x3a: {  	_ = 	snop  }
0x3b: {  	_ = 	snop  }
0x3c: {  	p2 =	seq.s32 s10, $0x1;
	s10 =	sld [smem:$0x3FB9]  }
0x3d: {  	_ =	shalt  }
0x3e: {  	_ =	shalt  }
0x3f: {  	_ =	shalt  }
0x40: {  	_ =	shalt  }
0x41: {  	_ =	shalt  }
0x42: {  	_ =	shalt  }
0x43: {  	_ =	shalt  }
0x44: {  	_ =	shalt  }
0x45: {  	_ =	shalt  }
0x46: {  	_ =	shalt  }
0x47: {  	_ =	shalt  }
0x48: {  	_ =	shalt  }
0x49: {  	_ =	shalt  }
0x4a: {  	_ =	shalt  }
0x4b: {  	_ =	shalt  }
0x4c: {  	_ =	shalt  }
0x4d: {  	_ =	shalt  }
0x4e: {  	_ =	shalt  }
0x4f: {  	_ =	shalt  }
0x50: {  	_ =	shalt  }
0x51: {  	_ =	shalt  }
0x52: {  	_ =	shalt  }
0x53: {  	_ =	shalt  }
0x54: {  	_ =	shalt  }
0x55: {  	_ =	shalt  }
0x56: {  	_ =	shalt  }
0x57: {  	_ =	shalt  }
0x58: {  	_ =	shalt  }
0x59: {  	_ =	shalt  }
0x5a: {  	_ =	shalt  }
0x5b: {  	_ =	shalt  }
0x5c: {  	_ =	shalt  }
0x5d: {  	_ =	shalt  }
0x5e: {  	_ =	shalt  }
0x5f: {  	_ =	shalt  }
0x60: {  	_ =	shalt  }
0x61: {  	_ =	shalt  }
0x62: {  	_ =	shalt  }
0x63: {  	_ =	shalt  }
0x64: {  	_ =	shalt  }
0x65: {  	_ =	shalt  }
0x66: {  	_ =	shalt  }
0x67: {  	_ =	shalt  }
0x68: {  	_ =	shalt  }
0x69: {  	_ =	shalt  }
0x6a: {  	_ =	shalt  }
0x6b: {  	_ =	shalt  }
0x6c: {  	_ =	shalt  }
0x6d: {  	_ =	shalt  }
0x6e: {  	_ =	shalt  }
0x6f: {  	_ =	shalt  }
0x70: {  	_ =	shalt  }
0x71: {  	_ =	shalt  }
0x72: {  	_ =	shalt  }
0x73: {  	_ =	shalt  }
0x74: {  	_ =	shalt  }
0x75: {  	_ =	shalt  }
0x76: {  	_ =	shalt  }
0x77: {  	_ =	shalt  }
0x78: {  	_ =	shalt  }
0x79: {  	_ =	shalt  }
0x7a: {  	_ =	shalt  }
0x7b: {  	_ =	shalt  }
0x7c: {  	_ =	shalt  }
0x7d: {  	_ =	shalt  }
0x7e: {  	_ =	shalt  }
0x7f: {  	_ =	shalt  }
0x80: {  	_ =	shalt  }
0x81: {  	_ =	shalt  }
0x82: {  	_ =	shalt  }
0x83: {  	_ =	shalt  }
0x84: {  	_ =	shalt  }
0x85: {  	_ =	shalt  }
0x86: {  	_ =	shalt  }
0x87: {  	_ =	shalt  }
.Lfunc_end0:
.L_simem_size_0:
called_computation_lowered:
.L_overlay_start_0:
0x88: {  	s2 =	sld [smem:$0x3FD9]  }
0x89: {  	s3 =	sld [smem:$0x3FFE];
	_ =	sdelay $0x1  }
0x8a: {  	s1 =	srdreg.scid  }
0x8b: {  	s0 =	sand.u32 $0x1, s1  }
0x8c: {  	s17 =	sshll.u32 s0, $0xA;
	s2 =	sadd.s32 s3, s2  }
0x8d: {  	s2 =	sadd.s32 s2, s17  }
0x8e: {  	[smem:$0x3FC5] =	sst s2  }
0x8f: {  	_ = 	snop  }
0x90: {  	s2 =	sld [smem:$0x3FC8];
	(tm) =	ssettm $0x1  }
0x91: {  	s18 =	sld [smem:$0x3FFB];
	_ =	sdelay $0x3  }
0x92: {  	_ =	strace s18  }
0x93: {  	s3 =	sld [smem:$0x3FFC];
	_ =	sdelay $0x3  }
0x94: {  	_ =	strace s3  }
0x95: {  	s3 =	sld [smem:$0x3FFD];
	_ =	sdelay $0x3  }
0x96: {  	_ =	strace s3  }
0x97: {  	_ =	strace $0x8FFFFFFF  }
0x98: {  	s19 =	sld [smem:$0x3FDB];
	_ =	sdelay $0x1  }
0x99: {  	s4 =	simm.s32 $_scs_section_size  }
0x9a: {  	s5 =	simm.s32 $_size__tile_overlayer_lowered;
	s6 =	simm.s32 $_tile_overlayer_lowered  }
0x9b: {  	s22 =	simm.s32 $0x1BFF;
	s21 =	sshll.u32 s6, $0x1;
	s3 =	sadd.s32 s4, s19  }
0x9c: {  	s7 =	simm.s32 $0x0;
	s20 =	sshll.u32 s5, $0x1;
	s5 =	sadd.s32 s21, s3  }
0x9d: {  	[timem:s7], [sflag:s22] =	dma.local [hbm:s5], s20  }
0x9e: {  	_ =	swait.ge [sflag:s22], s20  }
0x9f: {  	s4 =	ssub.s32 $0x0, s20;
	[sflag:s22] =	ssyncset.done $0x0  }
0xa0: {  	[sflag:s22] =	ssyncadd.s32 s4;
	_ =	sdelay $0x1  }
0xa1: {  	s23 =	simm.s32 $0x1B8B  }
0xa2: {  	_ =	swait.ge [sflag:s23], $0x1  }
0xa3: {  	[sflag:s23] =	ssyncset.done $0x0  }
0xa4: {  	s25 =	simm.s32 $0x1B8E;
	s24 =	sld [smem:$0x3FFE];
	[sflag:s23] =	ssyncadd.s32 $0xFFFFFFFF  }
0xa5: {  	s26 =	simm.s32 $execute0_lowered;
	[smem:$0x3FD2] =	sst s25  }
0xa6: {  	s5 =	sshll.u32 s26, $0x1;
	_ =	strace $0x80000046;
	[dreg:$0x1] =	wrdreg $0xFFFFFFFF  }
0xa7: {  	s28 =	simm.s32 $_size_execute0_lowered;
	s3 =	sadd.s32 s3, s5;
	[dreg:$0x0] =	wrdreg $0x0  }
0xa8: {  	s5 =	sshll.u32 s28, $0x1;
	[dreg:$0x2] =	wrdreg s3  }
0xa9: {  	[dreg:$0x3] =	wrdreg s5  }
0xaa: {  	[dreg:$0x4] =	wrdreg $0xC0  }
0xab: {  	_ =	task [dreg:s7], $0x5FFFF  }
0xac: {  	[dreg:$0x1] =	wrdreg $0xFFFFFFFF  }
0xad: {  	[dreg:$0x0] =	wrdreg $0x60  }
0xae: {  	[dreg:$0x2] =	wrdreg s2  }
0xaf: {  	[dreg:$0x3] =	wrdreg s24  }
0xb0: {  	[dreg:$0x4] =	wrdreg $0x9  }
0xb1: {  	_ =	task.clear_ibuf [dreg:s7], $0x5FFFF;
	_ =	strace $0x90000046  }
0xb2: {  	s29 =	simm.s32 $0x9;
	_ =	strace $0x80000048  }
0xb3: {  	_ =	swait.ge [sflag:s29], $0x1  }
0xb4: {  	[sflag:s29] =	ssyncadd.s32 $0xFFFFFFFF  }
0xb5: {  	_ =	strace $0x90000048  }
0xb6: {  	_ =	sfence  }
0xb7: {  	s30 =	sld [smem:$0x0];
	_ =	sdelay $0x2  }
0xb8: {  	s31 =	sshll.u32 s1, $0xD;
	s1 =	sshrl.u32 s1, $0x2  }
0xb9: {  	s3 =	sand.u32 $0x4000, s31;
	s1 =	sadd.s32 s1, s30  }
0xba: {  	s0 =	sor.u32 s3, s0;
	s1 =	sshll.u32 s1, $0x11  }
0xbb: {  	s0 =	sor.u32 s1, s0  }
0xbc: {  	s0 =	sadd.s32 $0x8F2B, s0  }
0xbd: {  	[sflag:s0] =	ssyncadd.remote.s32 $0x1  }
0xbe: {  	_ =	sfence.sel $0xFFFF  }
0xbf: {  	[dreg:$0x0] =	wrdreg $0xFFFFFFFF;
	(pc) =	sbr.abs _section_cstart, $3  }
0xc0: {  	[dreg:$0x1] =	wrdreg $0xFFFFFFFF  }
0xc1: {  	_ =	task.clear_ibuf [dreg:s7], $0x2FFFF;
	_ =	strace $0x9FFFFFFF  }
0xc2: {  	(tm) =	ssettm $0x7FFFFFFF  }
0xc3: {  	_ =	shalt  }
tec
execute0_lowered:
.L_overlay_start_1:
0x0: {  	(tag) =	ssettag $0x1  }
0x1: {  	s1 =	srdreg.scid;
	s2 =	rddreg [dreg:$0x0]  }
0x2: {  	s0 =	stileid.u32;
	s3 =	rddreg [dreg:$0x1]  }
0x3: {  	s6 =	simm.s32 $0x1;
	s9 =	simm.s32 $0x1;
	s1 =	sshll.u32 s1, $0x8  }
0x4: {  	s10 =	simm.s32 $0x3;
	s4 =	sshll.u32 s0, $0x9;
	s5 =	sand.u32 $0x100, s1  }
0x5: {  	s13 =	simm.s32 $0x0;
	s12 =	simm.s32 $0x0;
	s4 =	sor.u32 s4, s5  }
0x6: {  	s1 =	rddreg [dreg:$0x2];
	_ =	strace $0x80000047;
	s8 =	ssub.s32 $0x4000, s4  }
.Ltmp0:
0x7: {  	s5 =	sadd.s32 $0x40800, s3;
	s7 =	sand.u32 $0x1F00, s8;
	(pc) =	sbr.rel .LBB2_1-.Ltmp0, $4  }
0x8: {  	[sflag:s6] =	ssyncpa.u1 $0x0;
	s11 =	smov.u32 s4;
	p0 =	sne.s32 s7, $0x0  }
0x9: {  	s8 =	sshrl.u32 s8, $0xD;
	s7 =	simm.s32 $0x2;
	s9 =	simm.s32 @!p0 $0x0  }
0xa: {  	[sflag:s7] =	ssyncpa.u1 $0x0;
	p0 =	por $0x0, $0x0;
	s8 =	sadd.s32 s9, s8  }
0xb: {  	vm0 =	vmmov $0xffff;
	[sflag:s10] =	ssyncpa.u1 $0x0;
	s10 =	simm.s32 $0x0;
	s9 =	sadd.s32 $0x1, s8  }
.LBB2_4:
0xc: {  	v2 =	vnsel vm1, $0x0, v2  }
0xd: {  	vm1 =	vgt.s32 v0, $0x0;
	v2 =	vmin.u32 v2, $0x3FFF  }
0xe: {  	v0 =	vnsel vm1, $0x0, v0  }
0xf: {  	v0 =	vmin.u32 v0, $0x3FFF  }
0x10: {  	[tilespmem:s15], [sflag:$0x1] =	stream.indirect_vreg.gather [hbm4b:s2+s10], $0x1, v1, vm0, $0x4038;
	[tilespmem:$0x400] =	vst v63  }
0x11: {  	(ifvalue) =	ssetifvalue $0x7FFFFFFF  }
0x12: {  	[tilespmem:s16], [sflag:$0x1] =	stream.indirect_vreg.gather [hbm4b:s2+s10], $0x1, v2, vm0, $0x4038;
	[tilespmem:$0x400] =	vst v63  }
0x13: {  	s29 =	sadd.s32 $0x10, s16;
	(ifvalue) =	ssetifvalue $0x7FFFFFFF  }
0x14: {  	[tilespmem:s29], [sflag:$0x1] =	stream.indirect_vreg.gather [hbm4b:s2+s10], $0x1, v0, vm0, $0x4038;
	[tilespmem:$0x400] =	vst v63  }
0x15: {  	_ =	swait.ge [sflag:s6], $0x100  }
0x16: {  	s30 =	sshrl.u32 s13, $0x3;
	[sflag:s6] =	ssyncset.done $0x0  }
0x17: {  	s31 =	sand.u32 $0x7, s13;
	s15 =	sadd.s32 s5, s30;
	[sflag:s6] =	ssyncadd.s32 $0xFFFFFF00  }
0x18: {  	[hbm4b:s15+s31] =	stream.linear.scatter [tilespmem:s14], [sflag:$0x3], $0x100, $0x38;
	[tilespmem:$0x400] =	vst v63  }
.LBB2_5:
0x19: {  	s15 =	sadd.s32 $0x2000, s11  }
0x1a: {  	p2 =	sgt.s32 s15, $0x3FFF  }
0x1b: {  	s15 =	smov.u32 @p2 s4;
	p2 =	sne.s32 s12, s9  }
.Ltmp1:
0x1c: {  	p1 =	slt.u32 s12, $0x2;
	(pc) =	sbr.rel @!p2 .LBB2_6-.Ltmp1, $4  }
0x1d: {  	s14 =	simm.s32 @!p1 $0x3  }
0x1e: {  	s16 =	sadd.s32 $0x1, s12;
	_ =	swait.ge @!p1 [sflag:s14], $0x100  }
0x1f: {  	s13 =	smov.u32 s11;
	p0 =	por !p0, !p0;
	[sflag:s14] =	ssyncset.done @!p1 $0x0  }
0x20: {  	s12 =	smov.u32 s16;
	s11 =	smov.u32 s15;
	[sflag:s14] =	ssyncadd.s32 @!p1 $0xFFFFFF00  }
.LBB2_1:
0x21: {  	p1 =	sge.u32 s12, s8  }
0x22: {  	s14 =	sxor.u32 @!p1 $0xFFFFFFFF, s12  }
0x23: {  	s31 =	sadd.s32 $0xFFFFFFFF, s12;
	s15 =	sshrl.u32 @!p1 s11, $0x3;
	s14 =	sshll.u32 @!p1 s14, $0x8  }
0x24: {  	s16 =	sand.u32 @!p1 $0x7, s11;
	s15 =	sadd.s32 @!p1 s3, s15;
	s14 =	sand.u32 @!p1 $0x100, s14  }
0x25: {  	[tilespmem:s14], [sflag:$0x2] =	stream.linear.gather @!p1 [hbm4b:s15+s16], $0x100, $0x38;
	[tilespmem:$0x400] =	vst v63  }
0x26: {  	p1 =	sge.u32 s31, s8  }
.Ltmp2:
0x27: {  	_ = 	snop;
	(pc) =	sbr.rel @p1 .LBB2_5-.Ltmp2, $1  }
0x28: {  	_ =	sdelay $0x3  }
0x29: {  	s14 =	simm.s32 $0x1  }
0x2a: {  	_ =	swait.ge [sflag:s7], $0x100;
	s14 =	simm.s32 @!p0 $0x0  }
0x2b: {  	[sflag:s7] =	ssyncset.done $0x0;
	s14 =	sshll.u32 s14, $0x8  }
0x2c: {  	[sflag:s7] =	ssyncadd.s32 $0xFFFFFF00;
	(ifvalue) =	ssetifvalue $0x7FFFFFFF;
	v0 =	vld.msk [tilespmem:s14+$0x0 ss:$0x1], $0xffff;
	_ =	sdelay $0x4  }
0x2d: {  	s15 =	sadd.s32 $0x10, s14;
	vm1 =	vgt.s32 v0, $0x0  }
0x2e: {  	v2 =	vld.msk [tilespmem:s15+$0x0 ss:$0x1], $0xffff;
	v1 =	vnsel vm1, $0x0, v0  }
0x2f: {  	v1 =	vmin.u32 v1, $0x3FFF;
	_ =	sdelay $0x1  }
0x30: {  	s16 =	sshll.u32 s12, $0x8;
	s18 =	simm.s32 $0x20  }
0x31: {  	s16 =	sand.u32 $0x100, s16;
	s17 =	sadd.s32 $0x10, s15;
	s15 =	sor.u32 $0x200, s14  }
0x32: {  	s14 =	sor.u32 $0x200, s16;
	s16 =	sadd.s32 $0x10, s15;
	v0 =	vld.msk [tilespmem:s17+$0x0 ss:$0x1], $0xffff;
	vm1 =	vgt.s32 v2, $0x0;
	(ifvalue) =	ssetifvalue $0x7FFFFFFF  }
.LBB2_3:
0x33: {  	[tilespmem:s15], [sflag:$0x1] =	stream.indirect_vreg.gather [hbm4b:s2+s10], $0x1, v1, vm0, $0x4038;
	[tilespmem:$0x400] =	vst v63  }
0x34: {  	s18 =	sadd.s32 $0x10, s18  }
0x35: {  	v2 =	vnsel vm1, $0x0, v2;
	p1 =	slt.u32 s18, $0xF0  }
.Ltmp3:
0x36: {  	s15 =	smov.u32 s16;
	v1 =	vmin.u32 v2, $0x3FFF;
	(pc) =	sbr.rel @p1 .LBB2_3-.Ltmp3, $3  }
0x37: {  	_ =	sdelay $0x1  }
0x38: {  	s17 =	sadd.s32 $0x10, s17  }
0x39: {  	vm1 =	vgt.s32 v0, $0x0;
	s16 =	sadd.s32 $0x10, s16;
	v2 =	vmov v0;
	(ifvalue) =	ssetifvalue $0x7FFFFFFF;
	v0 =	vld.msk [tilespmem:s17+$0x0 ss:$0x1], $0xffff  }
.Ltmp4:
0x3a: {  	_ = 	snop;
	(pc) =	sbr.rel .LBB2_4-.Ltmp4, $1  }
0x3b: {  	_ =	sdelay $0x3  }
.LBB2_6:
0x3c: {  	_ =	sfence.sel $0x180000  }
0x3d: {  	s2 =	simm.s32 $0x2;
	[bflag:$0x0] =	sbarrier.arrive $0xFFFF  }
0x3e: {  	s30 =	simm.s32 $0x3;
	[sflag:s2] =	ssyncpa.u1 $0x1  }
0x3f: {  	s31 =	simm.s32 $0x1;
	[sflag:s30] =	ssyncpa.u1 $0x1  }
0x40: {  	[sflag:s31] =	ssyncpa.u1 $0x1  }
0x41: {  	p0 =	sne.s32 s0, $0x0;
	_ =	strace $0x90000047  }
0x42: {  	s0 =	sadd.s32 @!p0 $0x100000, s1;
	[bflag:$0x2] =	sbarrier.arrive $0xFFFF  }
0x43: {  	[sflag:s0] =	ssyncadd.tile.s32 @!p0 $0x1;
	_ =	shalt  }
.Lfunc_end2:
_tile_overlayer_lowered:
.L_overlay_start_2:
0x44: {  	(tag) =	ssettag $0x2  }
0x45: {  	s0 =	rddreg [dreg:$0x0];
	s2 =	stileid.u32  }
0x46: {  	s1 =	rddreg [dreg:$0x1];
	p0 =	sne.s32 s2, $0x0  }
0x47: {  	s3 =	rddreg [dreg:$0x2];
	[bflag:$0x3] =	sbarrier.arrive $0xFFFF;
	s2 =	simm.s32 @!p0 $0x1C01  }
0x48: {  	[timem:s3], [sflag:s2] =	dma.local @!p0 [hbm:s0], s1  }
0x49: {  	s0 =	simm.s32 @!p0 $0x1  }
0x4a: {  	_ =	swait.ge @!p0 [sflag:s0], s1  }
0x4b: {  	s1 =	ssub.s32 @!p0 $0x0, s1;
	[sflag:s0] =	ssyncset.done @!p0 $0x0  }
0x4c: {  	[sflag:s0] =	ssyncadd.s32 @!p0 s1  }
0x4d: {  	[bflag:$0x3] =	sbarrier.arrive $0xFFFF  }
0x4e: {  	_ =	shalt  }

</sc_bundles>
